<compile_context>
chip_gen: v7x
topology: tpu7x:2x2x1
jax: 0.10.2.dev20260603
libtpu: 0.0.44.dev20260713+nightly
codegen_flags: <defaults>
</compile_context>

<pallas_src>
import functools

import jax
import jax.numpy as jnp
from jax import lax
from jax.experimental import pallas as pl
from jax.experimental.pallas import tpu as pltpu
from jax.experimental.pallas import tpu_sc as plsc

MARGIN_ = 1.0
B_ = 1024
D_ = 128
NCLS_ = 16
MASK_K_ = 100.0
BLK_ = 256
SC_NC_ = 2
SC_NS_ = 16
SC_NW_ = SC_NC_ * SC_NS_
SC_ROWS_ = B_ // SC_NW_


def _class_sum_sc_kernel(e_hbm, t_hbm, z_hbm, out_hbm, idx_v, rows_v, shared):
    cid = lax.axis_index("c")
    sid = lax.axis_index("s")
    wid = sid * SC_NC_ + cid
    base = wid * SC_ROWS_

    @pl.when(sid == 0)
    def _zero():
        pltpu.sync_copy(z_hbm, shared)
    plsc.subcore_barrier()

    pltpu.sync_copy(t_hbm.at[pl.ds(base, SC_ROWS_)], idx_v)
    pltpu.sync_copy(e_hbm.at[pl.ds(base, SC_ROWS_)], rows_v)
    pltpu.sync_copy(rows_v, shared.at[idx_v], add=True)
    plsc.subcore_barrier()

    @pl.when(sid == 0)
    def _emit():
        pltpu.sync_copy(shared, out_hbm.at[cid])


_class_sum_sc = functools.partial(
    pl.kernel,
    mesh=plsc.VectorSubcoreMesh(core_axis_name="c", subcore_axis_name="s"),
    out_type=jax.ShapeDtypeStruct((SC_NC_, NCLS_, D_), jnp.float32),
    scratch_types=[
        pltpu.VMEM((SC_ROWS_,), jnp.int32),
        pltpu.VMEM((SC_ROWS_, D_), jnp.float32),
        pltpu.VMEM_SHARED((NCLS_, D_), jnp.float32),
    ],
)(_class_sum_sc_kernel)


def _loss_kernel(e_ref, t_ref, o_ref):
    e = e_ref[...]
    t = t_ref[...]
    tcol = t.reshape(B_, 1)
    trow = t.reshape(1, B_)
    nsq = jnp.sum(e * e, axis=1, keepdims=True)
    ones_col = jnp.ones((B_, 1), dtype=jnp.float32)

    cls_row = jax.lax.broadcasted_iota(jnp.int32, (1, NCLS_), 1)
    oh_col = (tcol == cls_row).astype(jnp.float32)
    lhs = jnp.concatenate([e, nsq, ones_col, MASK_K_ * oh_col], axis=1)
    rhs = jnp.concatenate([-2.0 * e, ones_col, nsq, oh_col], axis=1)
    nb = B_ // BLK_
    diag_parts = []
    off_parts = []
    for bi in range(nb):
        for bj in range(bi, nb):
            sq_masked = jax.lax.dot_general(
                lhs[bi * BLK_:(bi + 1) * BLK_, :],
                rhs[bj * BLK_:(bj + 1) * BLK_, :],
                (((1,), (1,)), ((), ())),
                preferred_element_type=jnp.float32)
            sq_c = jnp.maximum(sq_masked, 1e-12)
            d = sq_c * jax.lax.rsqrt(sq_c)
            r = jnp.maximum(MARGIN_ - d, 0.0)
            part = jnp.sum(r * r, keepdims=True)
            (diag_parts if bi == bj else off_parts).append(part)
    neg_sum = sum(diag_parts) + 2.0 * sum(off_parts)

    cls_col = jax.lax.broadcasted_iota(jnp.int32, (NCLS_, 1), 0)
    oh_row = (trow == cls_col).astype(jnp.float32)
    cls_nsq = jax.lax.dot_general(
        oh_row, nsq, (((1,), (0,)), ((), ())),
        preferred_element_type=jnp.float32,
        precision=jax.lax.Precision.HIGHEST)
    cnt = jnp.sum(oh_row, axis=1, keepdims=True)
    pos_partial = 2.0 * jnp.sum(cnt * cls_nsq, keepdims=True)

    n_pairs = B_ * (B_ - 1) // 2
    o_ref[...] = (pos_partial + neg_sum) * (0.5 / n_pairs)


def kernel(embeddings, target):
    tables = _class_sum_sc(
        embeddings, target, jnp.zeros((NCLS_, D_), jnp.float32))
    partial = pl.pallas_call(
        _loss_kernel,
        out_shape=jax.ShapeDtypeStruct((1, 1), jnp.float32),
    )(embeddings, target)
    n_pairs = B_ * (B_ - 1) // 2
    s = tables[0] + tables[1]
    return partial.reshape(()) - jnp.sum(s * s) / n_pairs

# --- scband reference (transcript-rebuilt; emitter-appended) ---
"""Pipeline reference for scband-contrastive-loss-42159398978338 (READ-ONLY COPY).

The authoritative reference and input builder live on the scoring server;
editing this copy changes nothing except your own understanding.
"""

import jax, jax.numpy as jnp
import numpy as np

MARGIN = 1.0

def setup_inputs(seed: int = 0) -> dict:
    key = jax.random.key(seed)
    k1, k2 = jax.random.split(key)
    embeddings = jax.random.normal(k1, (1024, 128), dtype=jnp.float32)
    target = jax.random.randint(k2, (1024,), 0, 10, dtype=jnp.int32)
    return {"embeddings": embeddings, "target": target}

def reference(embeddings, target):
    # AllPairsSelector: enumerate all unordered pairs (i < j); positives share a
    # label, negatives differ. Mirrors itertools.combinations-based selectors.
    B = embeddings.shape[0]
    i, j = jnp.triu_indices(B, k=1)
    pos_mask = target[i] == target[j]
    sq_dist = jnp.sum((embeddings[i] - embeddings[j]) ** 2, axis=1)
    # positive_loss = ||e_a - e_b||^2
    positive_loss = sq_dist
    # negative_loss = relu(margin - ||e_a - e_b||)^2
    neg_dist = jnp.sqrt(sq_dist)
    negative_loss = jnp.maximum(MARGIN - neg_dist, 0.0) ** 2
    total = jnp.sum(jnp.where(pos_mask, positive_loss, 0.0)) + jnp.sum(
        jnp.where(pos_mask, 0.0, negative_loss)
    )
    return total / i.shape[0]

if __name__ == "__main__":
    import jax
    _d = setup_inputs()
    print(jax.jit(kernel)(*tuple(_d.values())))

</pallas_src>

<mosaic_0001>
#map = affine_map<(d0, d1) -> (0, 0)>
#map1 = affine_map<(d0, d1) -> (0)>
#map2 = affine_map<(d0, d1) -> (0, 0, 0)>
module attributes {stable_mosaic.version = 14 : i64} {
  func.func @_class_sum_sc_kernel(%arg0: i32, %arg1: i32, %arg2: memref<1024x128xf32, #tpu.memory_space<hbm>>, %arg3: memref<1024xi32, #tpu.memory_space<hbm>>, %arg4: memref<16x128xf32, #tpu.memory_space<hbm>>, %arg5: memref<2x16x128xf32, #tpu.memory_space<hbm>>, %arg6: memref<32xi32, #tpu.memory_space<vmem>>, %arg7: memref<32x128xf32, #tpu.memory_space<vmem>>, %arg8: memref<16x128xf32, #tpu.memory_space<vmem_shared>>) attributes {dimension_semantics = [#tpu.dimension_semantics<core_parallel>, #tpu.dimension_semantics<subcore_parallel>], iteration_bounds = array<i64: 2, 16>, scalar_prefetch = 0 : i64, scratch_operands = 3 : i64, tpu.core_type = #tpu.core_type<sc_vector_subcore>, window_params = [{transform_indices = #map}, {transform_indices = #map1}, {transform_indices = #map}, {transform_indices = #map2}]} {
    %mul3A = arith.constant 2 : i32
    %mul3A_0 = arith.muli %arg1, %mul3A : i32
    %add3A = arith.addi %mul3A_0, %arg0 : i32
    %mul3A_1 = arith.constant 32 : i32
    %mul3A_2 = arith.muli %add3A, %mul3A_1 : i32
    %eq3A = arith.constant 0 : i32
    %eq3A_3 = arith.cmpi eq, %arg1, %eq3A : i32
    %convert_element_type3A = arith.extui %eq3A_3 : i1 to i32
    %cond3A = arith.constant 0 : i32
    %cond3A_4 = arith.cmpi ne, %convert_element_type3A, %cond3A : i32
    scf.if %cond3A_4 {
      "tpu.region"() ({
        %run_scoped3A = tpu.sem_alloc : memref<!tpu.dma_semaphore, #tpu.memory_space<semaphore_mem>>
        tpu.enqueue_dma source(%arg4 : memref<16x128xf32, #tpu.memory_space<hbm>>) target(%arg8 : memref<16x128xf32, #tpu.memory_space<vmem_shared>>) target_semaphore(%run_scoped3A : memref<!tpu.dma_semaphore, #tpu.memory_space<semaphore_mem>>)
        tpu.wait_dma2 semaphore(%run_scoped3A : memref<!tpu.dma_semaphore, #tpu.memory_space<semaphore_mem>>) src(%arg4 : memref<16x128xf32, #tpu.memory_space<hbm>>) dst(%arg8 : memref<16x128xf32, #tpu.memory_space<vmem_shared>>)
        tpu.yield
      }) : () -> ()
    } else {
    }
    %barrier3A = arith.constant 0 : index
    tpu.barrier barrier_id(%barrier3A)
    "tpu.region"() ({
      %run_scoped3A = tpu.sem_alloc : memref<!tpu.dma_semaphore, #tpu.memory_space<semaphore_mem>>
      %dma_start3A = tpu.memref_slice %arg3[%mul3A_2] : memref<1024xi32, #tpu.memory_space<hbm>> -> memref<32xi32, #tpu.memory_space<hbm>>
      %dma_start3A_11 = tpu.memref_slice %arg3[%mul3A_2] : memref<1024xi32, #tpu.memory_space<hbm>> -> memref<32xi32, #tpu.memory_space<hbm>>
      tpu.enqueue_dma source(%dma_start3A_11 : memref<32xi32, #tpu.memory_space<hbm>>) target(%arg6 : memref<32xi32, #tpu.memory_space<vmem>>) target_semaphore(%run_scoped3A : memref<!tpu.dma_semaphore, #tpu.memory_space<semaphore_mem>>)
      %dma_wait3A = tpu.memref_slice %arg3[%mul3A_2] : memref<1024xi32, #tpu.memory_space<hbm>> -> memref<32xi32, #tpu.memory_space<hbm>>
      %dma_wait3A_12 = tpu.memref_slice %arg3[%mul3A_2] : memref<1024xi32, #tpu.memory_space<hbm>> -> memref<32xi32, #tpu.memory_space<hbm>>
      tpu.wait_dma2 semaphore(%run_scoped3A : memref<!tpu.dma_semaphore, #tpu.memory_space<semaphore_mem>>) src(%dma_wait3A_12 : memref<32xi32, #tpu.memory_space<hbm>>) dst(%arg6 : memref<32xi32, #tpu.memory_space<vmem>>)
      tpu.yield
    }) : () -> ()
    "tpu.region"() ({
      %run_scoped3A = tpu.sem_alloc : memref<!tpu.dma_semaphore, #tpu.memory_space<semaphore_mem>>
      %dma_start3A = arith.constant 0 : i32
      %dma_start3A_11 = tpu.memref_slice %arg2[%mul3A_2, %dma_start3A] : memref<1024x128xf32, #tpu.memory_space<hbm>> -> memref<32x128xf32, #tpu.memory_space<hbm>>
      %dma_start3A_12 = arith.constant 0 : i32
      %dma_start3A_13 = tpu.memref_slice %arg2[%mul3A_2, %dma_start3A_12] : memref<1024x128xf32, #tpu.memory_space<hbm>> -> memref<32x128xf32, #tpu.memory_space<hbm>>
      tpu.enqueue_dma source(%dma_start3A_13 : memref<32x128xf32, #tpu.memory_space<hbm>>) target(%arg7 : memref<32x128xf32, #tpu.memory_space<vmem>>) target_semaphore(%run_scoped3A : memref<!tpu.dma_semaphore, #tpu.memory_space<semaphore_mem>>)
      %dma_wait3A = arith.constant 0 : i32
      %dma_wait3A_14 = tpu.memref_slice %arg2[%mul3A_2, %dma_wait3A] : memref<1024x128xf32, #tpu.memory_space<hbm>> -> memref<32x128xf32, #tpu.memory_space<hbm>>
      %dma_wait3A_15 = arith.constant 0 : i32
      %dma_wait3A_16 = tpu.memref_slice %arg2[%mul3A_2, %dma_wait3A_15] : memref<1024x128xf32, #tpu.memory_space<hbm>> -> memref<32x128xf32, #tpu.memory_space<hbm>>
      tpu.wait_dma2 semaphore(%run_scoped3A : memref<!tpu.dma_semaphore, #tpu.memory_space<semaphore_mem>>) src(%dma_wait3A_16 : memref<32x128xf32, #tpu.memory_space<hbm>>) dst(%arg7 : memref<32x128xf32, #tpu.memory_space<vmem>>)
      tpu.yield
    }) : () -> ()
    "tpu.region"() ({
      %run_scoped3A = tpu.sem_alloc : memref<!tpu.dma_semaphore, #tpu.memory_space<semaphore_mem>>
      %dma_start3A = arith.constant 0 : i32
      %dma_start3A_11 = arith.constant 0 : i32
      %dma_start3A_12 = tpu.memref_slice %arg8[%dma_start3A, %dma_start3A_11] : memref<16x128xf32, #tpu.memory_space<vmem_shared>> -> memref<16x128xf32, #tpu.memory_space<vmem_shared>>
      tpu.enqueue_indirect_dma source(%arg7 : memref<32x128xf32, #tpu.memory_space<vmem>>) target(%dma_start3A_12 : memref<16x128xf32, #tpu.memory_space<vmem_shared>>) offsets(%arg6 : memref<32xi32, #tpu.memory_space<vmem>>) semaphore(%run_scoped3A : memref<!tpu.dma_semaphore, #tpu.memory_space<semaphore_mem>>) {add = true}
      %dma_wait3A = arith.constant 0 : i32
      %dma_wait3A_13 = arith.constant 0 : i32
      %dma_wait3A_14 = tpu.memref_slice %arg8[%dma_wait3A, %dma_wait3A_13] : memref<16x128xf32, #tpu.memory_space<vmem_shared>> -> memref<16x128xf32, #tpu.memory_space<vmem_shared>>
      tpu.wait_indirect_dma semaphore(%run_scoped3A : memref<!tpu.dma_semaphore, #tpu.memory_space<semaphore_mem>>) src(%arg7 : memref<32x128xf32, #tpu.memory_space<vmem>>) dst(%dma_wait3A_14 : memref<16x128xf32, #tpu.memory_space<vmem_shared>>)
      tpu.yield
    }) : () -> ()
    %barrier3A_5 = arith.constant 0 : index
    tpu.barrier barrier_id(%barrier3A_5)
    %eq3A_6 = arith.constant 0 : i32
    %eq3A_7 = arith.cmpi eq, %arg1, %eq3A_6 : i32
    %convert_element_type3A_8 = arith.extui %eq3A_7 : i1 to i32
    %cond3A_9 = arith.constant 0 : i32
    %cond3A_10 = arith.cmpi ne, %convert_element_type3A_8, %cond3A_9 : i32
    scf.if %cond3A_10 {
      "tpu.region"() ({
        %run_scoped3A = tpu.sem_alloc : memref<!tpu.dma_semaphore, #tpu.memory_space<semaphore_mem>>
        %dma_start3A = arith.constant 0 : i32
        %dma_start3A_11 = arith.constant 0 : i32
        %dma_start3A_12 = tpu.memref_slice %arg5[%arg0, %dma_start3A, %dma_start3A_11] : memref<2x16x128xf32, #tpu.memory_space<hbm>> -> memref<1x16x128xf32, #tpu.memory_space<hbm>>
        %dma_start3A_13 = tpu.memref_squeeze %dma_start3A_12 : memref<1x16x128xf32, #tpu.memory_space<hbm>> -> memref<16x128xf32, #tpu.memory_space<hbm>>
        tpu.enqueue_dma source(%arg8 : memref<16x128xf32, #tpu.memory_space<vmem_shared>>) target(%dma_start3A_13 : memref<16x128xf32, #tpu.memory_space<hbm>>) target_semaphore(%run_scoped3A : memref<!tpu.dma_semaphore, #tpu.memory_space<semaphore_mem>>)
        %dma_wait3A = arith.constant 0 : i32
        %dma_wait3A_14 = arith.constant 0 : i32
        %dma_wait3A_15 = tpu.memref_slice %arg5[%arg0, %dma_wait3A, %dma_wait3A_14] : memref<2x16x128xf32, #tpu.memory_space<hbm>> -> memref<1x16x128xf32, #tpu.memory_space<hbm>>
        %dma_wait3A_16 = tpu.memref_squeeze %dma_wait3A_15 : memref<1x16x128xf32, #tpu.memory_space<hbm>> -> memref<16x128xf32, #tpu.memory_space<hbm>>
        tpu.wait_dma2 semaphore(%run_scoped3A : memref<!tpu.dma_semaphore, #tpu.memory_space<semaphore_mem>>) src(%arg8 : memref<16x128xf32, #tpu.memory_space<vmem_shared>>) dst(%dma_wait3A_16 : memref<16x128xf32, #tpu.memory_space<hbm>>)
        tpu.yield
      }) : () -> ()
    } else {
    }
    return
  }
}

module attributes {stable_mosaic.version = 14 : i64} {
  func.func @_loss_kernel(%arg0: memref<1024x128xf32, #tpu.memory_space<vmem>>, %arg1: memref<1024xi32, #tpu.memory_space<vmem>>, %arg2: memref<1x1xf32, #tpu.memory_space<vmem>>) attributes {dimension_semantics = [], scalar_prefetch = 0 : i64, scratch_operands = 0 : i64, tpu.core_type = #tpu.core_type<tc>} {
    %get3A = arith.constant 0 : index
    %get3A_0 = arith.constant 0 : index
    %get3A_1 = vector.load %arg0[%get3A, %get3A_0] : memref<1024x128xf32, #tpu.memory_space<vmem>>, vector<1024x128xf32>
    %get3A_2 = arith.constant 0 : index
    %get3A_3 = vector.load %arg1[%get3A_2] : memref<1024xi32, #tpu.memory_space<vmem>>, vector<1024xi32>
    %reshape3A = vector.shape_cast %get3A_3 : vector<1024xi32> to vector<1024x1xi32>
    %reshape3A_4 = vector.shape_cast %get3A_3 : vector<1024xi32> to vector<1x1024xi32>
    %mul3A = arith.mulf %get3A_1, %get3A_1 : vector<1024x128xf32>
    %reduce_sum3A = arith.constant dense<0.000000e+00> : vector<1024xf32>
    %reduce_sum3A_5 = vector.multi_reduction <add>, %mul3A, %reduce_sum3A [1] : vector<1024x128xf32> to vector<1024xf32>
    %broadcast_in_dim3A = vector.shape_cast %reduce_sum3A_5 : vector<1024xf32> to vector<1024x1xf32>
    %broadcast_in_dim3A_6 = arith.constant 1.000000e+00 : f32
    %broadcast_in_dim3A_7 = vector.broadcast %broadcast_in_dim3A_6 : f32 to vector<1024x1xf32>
    %iota3A = tpu.iota {dimensions = array<i32: 1>} : vector<1x16xi32>
    %eq3A = vector.broadcast %reshape3A : vector<1024x1xi32> to vector<1024x16xi32>
    %eq3A_8 = vector.broadcast %iota3A : vector<1x16xi32> to vector<1024x16xi32>
    %eq3A_9 = arith.cmpi eq, %eq3A, %eq3A_8 : vector<1024x16xi32>
    %convert_element_type3A = arith.extui %eq3A_9 : vector<1024x16xi1> to vector<1024x16xi32>
    %convert_element_type3A_10 = arith.sitofp %convert_element_type3A : vector<1024x16xi32> to vector<1024x16xf32>
    %mul3A_11 = arith.constant 1.000000e+02 : f32
    %mul3A_12 = vector.broadcast %mul3A_11 : f32 to vector<1024x16xf32>
    %mul3A_13 = arith.mulf %mul3A_12, %convert_element_type3A_10 : vector<1024x16xf32>
    %concatenate3A = tpu.concatenate %get3A_1, %broadcast_in_dim3A, %broadcast_in_dim3A_7, %mul3A_13 in 1 : vector<1024x128xf32>, vector<1024x1xf32>, vector<1024x1xf32>, vector<1024x16xf32> -> vector<1024x146xf32>
    %mul3A_14 = arith.constant -2.000000e+00 : f32
    %mul3A_15 = vector.broadcast %mul3A_14 : f32 to vector<1024x128xf32>
    %mul3A_16 = arith.mulf %mul3A_15, %get3A_1 : vector<1024x128xf32>
    %concatenate3A_17 = tpu.concatenate %mul3A_16, %broadcast_in_dim3A_7, %broadcast_in_dim3A, %convert_element_type3A_10 in 1 : vector<1024x128xf32>, vector<1024x1xf32>, vector<1024x1xf32>, vector<1024x16xf32> -> vector<1024x146xf32>
    %slice3A = vector.extract_strided_slice %concatenate3A {offsets = [0, 0], sizes = [256, 146], strides = [1, 1]} : vector<1024x146xf32> to vector<256x146xf32>
    %slice3A_18 = vector.extract_strided_slice %concatenate3A_17 {offsets = [0, 0], sizes = [256, 146], strides = [1, 1]} : vector<1024x146xf32> to vector<256x146xf32>
    %dot_general3A = arith.constant dense<0.000000e+00> : vector<256x256xf32>
    %dot_general3A_19 = tpu.matmul %slice3A, %slice3A_18, %dot_general3A {dimension_numbers = #tpu.dot_dimension_numbers<[1], [1], [0], [0], [0, 0, 1, 0], [], []>, transpose_lhs_hint = false} : vector<256x146xf32>, vector<256x146xf32>, vector<256x256xf32> -> vector<256x256xf32>
    %max3A = arith.constant 9.99999996E-13 : f32
    %max3A_20 = vector.broadcast %max3A : f32 to vector<256x256xf32>
    %max3A_21 = arith.maximumf %dot_general3A_19, %max3A_20 : vector<256x256xf32>
    %rsqrt3A = math.rsqrt %max3A_21 : vector<256x256xf32>
    %mul3A_22 = arith.mulf %max3A_21, %rsqrt3A : vector<256x256xf32>
    %sub3A = arith.constant 1.000000e+00 : f32
    %sub3A_23 = vector.broadcast %sub3A : f32 to vector<256x256xf32>
    %sub3A_24 = arith.subf %sub3A_23, %mul3A_22 : vector<256x256xf32>
    %max3A_25 = arith.constant 0.000000e+00 : f32
    %max3A_26 = vector.broadcast %max3A_25 : f32 to vector<256x256xf32>
    %max3A_27 = arith.maximumf %sub3A_24, %max3A_26 : vector<256x256xf32>
    %mul3A_28 = arith.mulf %max3A_27, %max3A_27 : vector<256x256xf32>
    %reduce_sum3A_29 = vector.shape_cast %mul3A_28 : vector<256x256xf32> to vector<1x256x256xf32>
    %reduce_sum3A_30 = arith.constant dense<0.000000e+00> : vector<1xf32>
    %reduce_sum3A_31 = vector.multi_reduction <add>, %reduce_sum3A_29, %reduce_sum3A_30 [1, 2] : vector<1x256x256xf32> to vector<1xf32>
    %reduce_sum3A_32 = vector.shape_cast %reduce_sum3A_31 : vector<1xf32> to vector<1x1x1xf32>
    %reduce_sum3A_33 = vector.extract %reduce_sum3A_32[0, 0, 0] : f32 from vector<1x1x1xf32>
    %broadcast_in_dim3A_34 = vector.broadcast %reduce_sum3A_33 : f32 to vector<1x1xf32>
    %slice3A_35 = vector.extract_strided_slice %concatenate3A {offsets = [0, 0], sizes = [256, 146], strides = [1, 1]} : vector<1024x146xf32> to vector<256x146xf32>
    %slice3A_36 = vector.extract_strided_slice %concatenate3A_17 {offsets = [256, 0], sizes = [256, 146], strides = [1, 1]} : vector<1024x146xf32> to vector<256x146xf32>
    %dot_general3A_37 = arith.constant dense<0.000000e+00> : vector<256x256xf32>
    %dot_general3A_38 = tpu.matmul %slice3A_35, %slice3A_36, %dot_general3A_37 {dimension_numbers = #tpu.dot_dimension_numbers<[1], [1], [0], [0], [0, 0, 1, 0], [], []>, transpose_lhs_hint = false} : vector<256x146xf32>, vector<256x146xf32>, vector<256x256xf32> -> vector<256x256xf32>
    %max3A_39 = arith.constant 9.99999996E-13 : f32
    %max3A_40 = vector.broadcast %max3A_39 : f32 to vector<256x256xf32>
    %max3A_41 = arith.maximumf %dot_general3A_38, %max3A_40 : vector<256x256xf32>
    %rsqrt3A_42 = math.rsqrt %max3A_41 : vector<256x256xf32>
    %mul3A_43 = arith.mulf %max3A_41, %rsqrt3A_42 : vector<256x256xf32>
    %sub3A_44 = arith.constant 1.000000e+00 : f32
    %sub3A_45 = vector.broadcast %sub3A_44 : f32 to vector<256x256xf32>
    %sub3A_46 = arith.subf %sub3A_45, %mul3A_43 : vector<256x256xf32>
    %max3A_47 = arith.constant 0.000000e+00 : f32
    %max3A_48 = vector.broadcast %max3A_47 : f32 to vector<256x256xf32>
    %max3A_49 = arith.maximumf %sub3A_46, %max3A_48 : vector<256x256xf32>
    %mul3A_50 = arith.mulf %max3A_49, %max3A_49 : vector<256x256xf32>
    %reduce_sum3A_51 = vector.shape_cast %mul3A_50 : vector<256x256xf32> to vector<1x256x256xf32>
    %reduce_sum3A_52 = arith.constant dense<0.000000e+00> : vector<1xf32>
    %reduce_sum3A_53 = vector.multi_reduction <add>, %reduce_sum3A_51, %reduce_sum3A_52 [1, 2] : vector<1x256x256xf32> to vector<1xf32>
    %reduce_sum3A_54 = vector.shape_cast %reduce_sum3A_53 : vector<1xf32> to vector<1x1x1xf32>
    %reduce_sum3A_55 = vector.extract %reduce_sum3A_54[0, 0, 0] : f32 from vector<1x1x1xf32>
    %broadcast_in_dim3A_56 = vector.broadcast %reduce_sum3A_55 : f32 to vector<1x1xf32>
    %slice3A_57 = vector.extract_strided_slice %concatenate3A {offsets = [0, 0], sizes = [256, 146], strides = [1, 1]} : vector<1024x146xf32> to vector<256x146xf32>
    %slice3A_58 = vector.extract_strided_slice %concatenate3A_17 {offsets = [512, 0], sizes = [256, 146], strides = [1, 1]} : vector<1024x146xf32> to vector<256x146xf32>
    %dot_general3A_59 = arith.constant dense<0.000000e+00> : vector<256x256xf32>
    %dot_general3A_60 = tpu.matmul %slice3A_57, %slice3A_58, %dot_general3A_59 {dimension_numbers = #tpu.dot_dimension_numbers<[1], [1], [0], [0], [0, 0, 1, 0], [], []>, transpose_lhs_hint = false} : vector<256x146xf32>, vector<256x146xf32>, vector<256x256xf32> -> vector<256x256xf32>
    %max3A_61 = arith.constant 9.99999996E-13 : f32
    %max3A_62 = vector.broadcast %max3A_61 : f32 to vector<256x256xf32>
    %max3A_63 = arith.maximumf %dot_general3A_60, %max3A_62 : vector<256x256xf32>
    %rsqrt3A_64 = math.rsqrt %max3A_63 : vector<256x256xf32>
    %mul3A_65 = arith.mulf %max3A_63, %rsqrt3A_64 : vector<256x256xf32>
    %sub3A_66 = arith.constant 1.000000e+00 : f32
    %sub3A_67 = vector.broadcast %sub3A_66 : f32 to vector<256x256xf32>
    %sub3A_68 = arith.subf %sub3A_67, %mul3A_65 : vector<256x256xf32>
    %max3A_69 = arith.constant 0.000000e+00 : f32
    %max3A_70 = vector.broadcast %max3A_69 : f32 to vector<256x256xf32>
    %max3A_71 = arith.maximumf %sub3A_68, %max3A_70 : vector<256x256xf32>
    %mul3A_72 = arith.mulf %max3A_71, %max3A_71 : vector<256x256xf32>
    %reduce_sum3A_73 = vector.shape_cast %mul3A_72 : vector<256x256xf32> to vector<1x256x256xf32>
    %reduce_sum3A_74 = arith.constant dense<0.000000e+00> : vector<1xf32>
    %reduce_sum3A_75 = vector.multi_reduction <add>, %reduce_sum3A_73, %reduce_sum3A_74 [1, 2] : vector<1x256x256xf32> to vector<1xf32>
    %reduce_sum3A_76 = vector.shape_cast %reduce_sum3A_75 : vector<1xf32> to vector<1x1x1xf32>
    %reduce_sum3A_77 = vector.extract %reduce_sum3A_76[0, 0, 0] : f32 from vector<1x1x1xf32>
    %broadcast_in_dim3A_78 = vector.broadcast %reduce_sum3A_77 : f32 to vector<1x1xf32>
    %slice3A_79 = vector.extract_strided_slice %concatenate3A {offsets = [0, 0], sizes = [256, 146], strides = [1, 1]} : vector<1024x146xf32> to vector<256x146xf32>
    %slice3A_80 = vector.extract_strided_slice %concatenate3A_17 {offsets = [768, 0], sizes = [256, 146], strides = [1, 1]} : vector<1024x146xf32> to vector<256x146xf32>
    %dot_general3A_81 = arith.constant dense<0.000000e+00> : vector<256x256xf32>
    %dot_general3A_82 = tpu.matmul %slice3A_79, %slice3A_80, %dot_general3A_81 {dimension_numbers = #tpu.dot_dimension_numbers<[1], [1], [0], [0], [0, 0, 1, 0], [], []>, transpose_lhs_hint = false} : vector<256x146xf32>, vector<256x146xf32>, vector<256x256xf32> -> vector<256x256xf32>
    %max3A_83 = arith.constant 9.99999996E-13 : f32
    %max3A_84 = vector.broadcast %max3A_83 : f32 to vector<256x256xf32>
    %max3A_85 = arith.maximumf %dot_general3A_82, %max3A_84 : vector<256x256xf32>
    %rsqrt3A_86 = math.rsqrt %max3A_85 : vector<256x256xf32>
    %mul3A_87 = arith.mulf %max3A_85, %rsqrt3A_86 : vector<256x256xf32>
    %sub3A_88 = arith.constant 1.000000e+00 : f32
    %sub3A_89 = vector.broadcast %sub3A_88 : f32 to vector<256x256xf32>
    %sub3A_90 = arith.subf %sub3A_89, %mul3A_87 : vector<256x256xf32>
    %max3A_91 = arith.constant 0.000000e+00 : f32
    %max3A_92 = vector.broadcast %max3A_91 : f32 to vector<256x256xf32>
    %max3A_93 = arith.maximumf %sub3A_90, %max3A_92 : vector<256x256xf32>
    %mul3A_94 = arith.mulf %max3A_93, %max3A_93 : vector<256x256xf32>
    %reduce_sum3A_95 = vector.shape_cast %mul3A_94 : vector<256x256xf32> to vector<1x256x256xf32>
    %reduce_sum3A_96 = arith.constant dense<0.000000e+00> : vector<1xf32>
    %reduce_sum3A_97 = vector.multi_reduction <add>, %reduce_sum3A_95, %reduce_sum3A_96 [1, 2] : vector<1x256x256xf32> to vector<1xf32>
    %reduce_sum3A_98 = vector.shape_cast %reduce_sum3A_97 : vector<1xf32> to vector<1x1x1xf32>
    %reduce_sum3A_99 = vector.extract %reduce_sum3A_98[0, 0, 0] : f32 from vector<1x1x1xf32>
    %broadcast_in_dim3A_100 = vector.broadcast %reduce_sum3A_99 : f32 to vector<1x1xf32>
    %slice3A_101 = vector.extract_strided_slice %concatenate3A {offsets = [256, 0], sizes = [256, 146], strides = [1, 1]} : vector<1024x146xf32> to vector<256x146xf32>
    %slice3A_102 = vector.extract_strided_slice %concatenate3A_17 {offsets = [256, 0], sizes = [256, 146], strides = [1, 1]} : vector<1024x146xf32> to vector<256x146xf32>
    %dot_general3A_103 = arith.constant dense<0.000000e+00> : vector<256x256xf32>
    %dot_general3A_104 = tpu.matmul %slice3A_101, %slice3A_102, %dot_general3A_103 {dimension_numbers = #tpu.dot_dimension_numbers<[1], [1], [0], [0], [0, 0, 1, 0], [], []>, transpose_lhs_hint = false} : vector<256x146xf32>, vector<256x146xf32>, vector<256x256xf32> -> vector<256x256xf32>
    %max3A_105 = arith.constant 9.99999996E-13 : f32
    %max3A_106 = vector.broadcast %max3A_105 : f32 to vector<256x256xf32>
    %max3A_107 = arith.maximumf %dot_general3A_104, %max3A_106 : vector<256x256xf32>
    %rsqrt3A_108 = math.rsqrt %max3A_107 : vector<256x256xf32>
    %mul3A_109 = arith.mulf %max3A_107, %rsqrt3A_108 : vector<256x256xf32>
    %sub3A_110 = arith.constant 1.000000e+00 : f32
    %sub3A_111 = vector.broadcast %sub3A_110 : f32 to vector<256x256xf32>
    %sub3A_112 = arith.subf %sub3A_111, %mul3A_109 : vector<256x256xf32>
    %max3A_113 = arith.constant 0.000000e+00 : f32
    %max3A_114 = vector.broadcast %max3A_113 : f32 to vector<256x256xf32>
    %max3A_115 = arith.maximumf %sub3A_112, %max3A_114 : vector<256x256xf32>
    %mul3A_116 = arith.mulf %max3A_115, %max3A_115 : vector<256x256xf32>
    %reduce_sum3A_117 = vector.shape_cast %mul3A_116 : vector<256x256xf32> to vector<1x256x256xf32>
    %reduce_sum3A_118 = arith.constant dense<0.000000e+00> : vector<1xf32>
    %reduce_sum3A_119 = vector.multi_reduction <add>, %reduce_sum3A_117, %reduce_sum3A_118 [1, 2] : vector<1x256x256xf32> to vector<1xf32>
    %reduce_sum3A_120 = vector.shape_cast %reduce_sum3A_119 : vector<1xf32> to vector<1x1x1xf32>
    %reduce_sum3A_121 = vector.extract %reduce_sum3A_120[0, 0, 0] : f32 from vector<1x1x1xf32>
    %broadcast_in_dim3A_122 = vector.broadcast %reduce_sum3A_121 : f32 to vector<1x1xf32>
    %slice3A_123 = vector.extract_strided_slice %concatenate3A {offsets = [256, 0], sizes = [256, 146], strides = [1, 1]} : vector<1024x146xf32> to vector<256x146xf32>
    %slice3A_124 = vector.extract_strided_slice %concatenate3A_17 {offsets = [512, 0], sizes = [256, 146], strides = [1, 1]} : vector<1024x146xf32> to vector<256x146xf32>
    %dot_general3A_125 = arith.constant dense<0.000000e+00> : vector<256x256xf32>
    %dot_general3A_126 = tpu.matmul %slice3A_123, %slice3A_124, %dot_general3A_125 {dimension_numbers = #tpu.dot_dimension_numbers<[1], [1], [0], [0], [0, 0, 1, 0], [], []>, transpose_lhs_hint = false} : vector<256x146xf32>, vector<256x146xf32>, vector<256x256xf32> -> vector<256x256xf32>
    %max3A_127 = arith.constant 9.99999996E-13 : f32
    %max3A_128 = vector.broadcast %max3A_127 : f32 to vector<256x256xf32>
    %max3A_129 = arith.maximumf %dot_general3A_126, %max3A_128 : vector<256x256xf32>
    %rsqrt3A_130 = math.rsqrt %max3A_129 : vector<256x256xf32>
    %mul3A_131 = arith.mulf %max3A_129, %rsqrt3A_130 : vector<256x256xf32>
    %sub3A_132 = arith.constant 1.000000e+00 : f32
    %sub3A_133 = vector.broadcast %sub3A_132 : f32 to vector<256x256xf32>
    %sub3A_134 = arith.subf %sub3A_133, %mul3A_131 : vector<256x256xf32>
    %max3A_135 = arith.constant 0.000000e+00 : f32
    %max3A_136 = vector.broadcast %max3A_135 : f32 to vector<256x256xf32>
    %max3A_137 = arith.maximumf %sub3A_134, %max3A_136 : vector<256x256xf32>
    %mul3A_138 = arith.mulf %max3A_137, %max3A_137 : vector<256x256xf32>
    %reduce_sum3A_139 = vector.shape_cast %mul3A_138 : vector<256x256xf32> to vector<1x256x256xf32>
    %reduce_sum3A_140 = arith.constant dense<0.000000e+00> : vector<1xf32>
    %reduce_sum3A_141 = vector.multi_reduction <add>, %reduce_sum3A_139, %reduce_sum3A_140 [1, 2] : vector<1x256x256xf32> to vector<1xf32>
    %reduce_sum3A_142 = vector.shape_cast %reduce_sum3A_141 : vector<1xf32> to vector<1x1x1xf32>
    %reduce_sum3A_143 = vector.extract %reduce_sum3A_142[0, 0, 0] : f32 from vector<1x1x1xf32>
    %broadcast_in_dim3A_144 = vector.broadcast %reduce_sum3A_143 : f32 to vector<1x1xf32>
    %slice3A_145 = vector.extract_strided_slice %concatenate3A {offsets = [256, 0], sizes = [256, 146], strides = [1, 1]} : vector<1024x146xf32> to vector<256x146xf32>
    %slice3A_146 = vector.extract_strided_slice %concatenate3A_17 {offsets = [768, 0], sizes = [256, 146], strides = [1, 1]} : vector<1024x146xf32> to vector<256x146xf32>
    %dot_general3A_147 = arith.constant dense<0.000000e+00> : vector<256x256xf32>
    %dot_general3A_148 = tpu.matmul %slice3A_145, %slice3A_146, %dot_general3A_147 {dimension_numbers = #tpu.dot_dimension_numbers<[1], [1], [0], [0], [0, 0, 1, 0], [], []>, transpose_lhs_hint = false} : vector<256x146xf32>, vector<256x146xf32>, vector<256x256xf32> -> vector<256x256xf32>
    %max3A_149 = arith.constant 9.99999996E-13 : f32
    %max3A_150 = vector.broadcast %max3A_149 : f32 to vector<256x256xf32>
    %max3A_151 = arith.maximumf %dot_general3A_148, %max3A_150 : vector<256x256xf32>
    %rsqrt3A_152 = math.rsqrt %max3A_151 : vector<256x256xf32>
    %mul3A_153 = arith.mulf %max3A_151, %rsqrt3A_152 : vector<256x256xf32>
    %sub3A_154 = arith.constant 1.000000e+00 : f32
    %sub3A_155 = vector.broadcast %sub3A_154 : f32 to vector<256x256xf32>
    %sub3A_156 = arith.subf %sub3A_155, %mul3A_153 : vector<256x256xf32>
    %max3A_157 = arith.constant 0.000000e+00 : f32
    %max3A_158 = vector.broadcast %max3A_157 : f32 to vector<256x256xf32>
    %max3A_159 = arith.maximumf %sub3A_156, %max3A_158 : vector<256x256xf32>
    %mul3A_160 = arith.mulf %max3A_159, %max3A_159 : vector<256x256xf32>
    %reduce_sum3A_161 = vector.shape_cast %mul3A_160 : vector<256x256xf32> to vector<1x256x256xf32>
    %reduce_sum3A_162 = arith.constant dense<0.000000e+00> : vector<1xf32>
    %reduce_sum3A_163 = vector.multi_reduction <add>, %reduce_sum3A_161, %reduce_sum3A_162 [1, 2] : vector<1x256x256xf32> to vector<1xf32>
    %reduce_sum3A_164 = vector.shape_cast %reduce_sum3A_163 : vector<1xf32> to vector<1x1x1xf32>
    %reduce_sum3A_165 = vector.extract %reduce_sum3A_164[0, 0, 0] : f32 from vector<1x1x1xf32>
    %broadcast_in_dim3A_166 = vector.broadcast %reduce_sum3A_165 : f32 to vector<1x1xf32>
    %slice3A_167 = vector.extract_strided_slice %concatenate3A {offsets = [512, 0], sizes = [256, 146], strides = [1, 1]} : vector<1024x146xf32> to vector<256x146xf32>
    %slice3A_168 = vector.extract_strided_slice %concatenate3A_17 {offsets = [512, 0], sizes = [256, 146], strides = [1, 1]} : vector<1024x146xf32> to vector<256x146xf32>
    %dot_general3A_169 = arith.constant dense<0.000000e+00> : vector<256x256xf32>
    %dot_general3A_170 = tpu.matmul %slice3A_167, %slice3A_168, %dot_general3A_169 {dimension_numbers = #tpu.dot_dimension_numbers<[1], [1], [0], [0], [0, 0, 1, 0], [], []>, transpose_lhs_hint = false} : vector<256x146xf32>, vector<256x146xf32>, vector<256x256xf32> -> vector<256x256xf32>
    %max3A_171 = arith.constant 9.99999996E-13 : f32
    %max3A_172 = vector.broadcast %max3A_171 : f32 to vector<256x256xf32>
    %max3A_173 = arith.maximumf %dot_general3A_170, %max3A_172 : vector<256x256xf32>
    %rsqrt3A_174 = math.rsqrt %max3A_173 : vector<256x256xf32>
    %mul3A_175 = arith.mulf %max3A_173, %rsqrt3A_174 : vector<256x256xf32>
    %sub3A_176 = arith.constant 1.000000e+00 : f32
    %sub3A_177 = vector.broadcast %sub3A_176 : f32 to vector<256x256xf32>
    %sub3A_178 = arith.subf %sub3A_177, %mul3A_175 : vector<256x256xf32>
    %max3A_179 = arith.constant 0.000000e+00 : f32
    %max3A_180 = vector.broadcast %max3A_179 : f32 to vector<256x256xf32>
    %max3A_181 = arith.maximumf %sub3A_178, %max3A_180 : vector<256x256xf32>
    %mul3A_182 = arith.mulf %max3A_181, %max3A_181 : vector<256x256xf32>
    %reduce_sum3A_183 = vector.shape_cast %mul3A_182 : vector<256x256xf32> to vector<1x256x256xf32>
    %reduce_sum3A_184 = arith.constant dense<0.000000e+00> : vector<1xf32>
    %reduce_sum3A_185 = vector.multi_reduction <add>, %reduce_sum3A_183, %reduce_sum3A_184 [1, 2] : vector<1x256x256xf32> to vector<1xf32>
    %reduce_sum3A_186 = vector.shape_cast %reduce_sum3A_185 : vector<1xf32> to vector<1x1x1xf32>
    %reduce_sum3A_187 = vector.extract %reduce_sum3A_186[0, 0, 0] : f32 from vector<1x1x1xf32>
    %broadcast_in_dim3A_188 = vector.broadcast %reduce_sum3A_187 : f32 to vector<1x1xf32>
    %slice3A_189 = vector.extract_strided_slice %concatenate3A {offsets = [512, 0], sizes = [256, 146], strides = [1, 1]} : vector<1024x146xf32> to vector<256x146xf32>
    %slice3A_190 = vector.extract_strided_slice %concatenate3A_17 {offsets = [768, 0], sizes = [256, 146], strides = [1, 1]} : vector<1024x146xf32> to vector<256x146xf32>
    %dot_general3A_191 = arith.constant dense<0.000000e+00> : vector<256x256xf32>
    %dot_general3A_192 = tpu.matmul %slice3A_189, %slice3A_190, %dot_general3A_191 {dimension_numbers = #tpu.dot_dimension_numbers<[1], [1], [0], [0], [0, 0, 1, 0], [], []>, transpose_lhs_hint = false} : vector<256x146xf32>, vector<256x146xf32>, vector<256x256xf32> -> vector<256x256xf32>
    %max3A_193 = arith.constant 9.99999996E-13 : f32
    %max3A_194 = vector.broadcast %max3A_193 : f32 to vector<256x256xf32>
    %max3A_195 = arith.maximumf %dot_general3A_192, %max3A_194 : vector<256x256xf32>
    %rsqrt3A_196 = math.rsqrt %max3A_195 : vector<256x256xf32>
    %mul3A_197 = arith.mulf %max3A_195, %rsqrt3A_196 : vector<256x256xf32>
    %sub3A_198 = arith.constant 1.000000e+00 : f32
    %sub3A_199 = vector.broadcast %sub3A_198 : f32 to vector<256x256xf32>
    %sub3A_200 = arith.subf %sub3A_199, %mul3A_197 : vector<256x256xf32>
    %max3A_201 = arith.constant 0.000000e+00 : f32
    %max3A_202 = vector.broadcast %max3A_201 : f32 to vector<256x256xf32>
    %max3A_203 = arith.maximumf %sub3A_200, %max3A_202 : vector<256x256xf32>
    %mul3A_204 = arith.mulf %max3A_203, %max3A_203 : vector<256x256xf32>
    %reduce_sum3A_205 = vector.shape_cast %mul3A_204 : vector<256x256xf32> to vector<1x256x256xf32>
    %reduce_sum3A_206 = arith.constant dense<0.000000e+00> : vector<1xf32>
    %reduce_sum3A_207 = vector.multi_reduction <add>, %reduce_sum3A_205, %reduce_sum3A_206 [1, 2] : vector<1x256x256xf32> to vector<1xf32>
    %reduce_sum3A_208 = vector.shape_cast %reduce_sum3A_207 : vector<1xf32> to vector<1x1x1xf32>
    %reduce_sum3A_209 = vector.extract %reduce_sum3A_208[0, 0, 0] : f32 from vector<1x1x1xf32>
    %broadcast_in_dim3A_210 = vector.broadcast %reduce_sum3A_209 : f32 to vector<1x1xf32>
    %slice3A_211 = vector.extract_strided_slice %concatenate3A {offsets = [768, 0], sizes = [256, 146], strides = [1, 1]} : vector<1024x146xf32> to vector<256x146xf32>
    %slice3A_212 = vector.extract_strided_slice %concatenate3A_17 {offsets = [768, 0], sizes = [256, 146], strides = [1, 1]} : vector<1024x146xf32> to vector<256x146xf32>
    %dot_general3A_213 = arith.constant dense<0.000000e+00> : vector<256x256xf32>
    %dot_general3A_214 = tpu.matmul %slice3A_211, %slice3A_212, %dot_general3A_213 {dimension_numbers = #tpu.dot_dimension_numbers<[1], [1], [0], [0], [0, 0, 1, 0], [], []>, transpose_lhs_hint = false} : vector<256x146xf32>, vector<256x146xf32>, vector<256x256xf32> -> vector<256x256xf32>
    %max3A_215 = arith.constant 9.99999996E-13 : f32
    %max3A_216 = vector.broadcast %max3A_215 : f32 to vector<256x256xf32>
    %max3A_217 = arith.maximumf %dot_general3A_214, %max3A_216 : vector<256x256xf32>
    %rsqrt3A_218 = math.rsqrt %max3A_217 : vector<256x256xf32>
    %mul3A_219 = arith.mulf %max3A_217, %rsqrt3A_218 : vector<256x256xf32>
    %sub3A_220 = arith.constant 1.000000e+00 : f32
    %sub3A_221 = vector.broadcast %sub3A_220 : f32 to vector<256x256xf32>
    %sub3A_222 = arith.subf %sub3A_221, %mul3A_219 : vector<256x256xf32>
    %max3A_223 = arith.constant 0.000000e+00 : f32
    %max3A_224 = vector.broadcast %max3A_223 : f32 to vector<256x256xf32>
    %max3A_225 = arith.maximumf %sub3A_222, %max3A_224 : vector<256x256xf32>
    %mul3A_226 = arith.mulf %max3A_225, %max3A_225 : vector<256x256xf32>
    %reduce_sum3A_227 = vector.shape_cast %mul3A_226 : vector<256x256xf32> to vector<1x256x256xf32>
    %reduce_sum3A_228 = arith.constant dense<0.000000e+00> : vector<1xf32>
    %reduce_sum3A_229 = vector.multi_reduction <add>, %reduce_sum3A_227, %reduce_sum3A_228 [1, 2] : vector<1x256x256xf32> to vector<1xf32>
    %reduce_sum3A_230 = vector.shape_cast %reduce_sum3A_229 : vector<1xf32> to vector<1x1x1xf32>
    %reduce_sum3A_231 = vector.extract %reduce_sum3A_230[0, 0, 0] : f32 from vector<1x1x1xf32>
    %broadcast_in_dim3A_232 = vector.broadcast %reduce_sum3A_231 : f32 to vector<1x1xf32>
    %add3A = arith.constant 0.000000e+00 : f32
    %add3A_233 = vector.broadcast %add3A : f32 to vector<1x1xf32>
    %add3A_234 = arith.addf %add3A_233, %broadcast_in_dim3A_34 : vector<1x1xf32>
    %add3A_235 = arith.addf %add3A_234, %broadcast_in_dim3A_122 : vector<1x1xf32>
    %add3A_236 = arith.addf %add3A_235, %broadcast_in_dim3A_188 : vector<1x1xf32>
    %add3A_237 = arith.addf %add3A_236, %broadcast_in_dim3A_232 : vector<1x1xf32>
    %add3A_238 = arith.constant 0.000000e+00 : f32
    %add3A_239 = vector.broadcast %add3A_238 : f32 to vector<1x1xf32>
    %add3A_240 = arith.addf %add3A_239, %broadcast_in_dim3A_56 : vector<1x1xf32>
    %add3A_241 = arith.addf %add3A_240, %broadcast_in_dim3A_78 : vector<1x1xf32>
    %add3A_242 = arith.addf %add3A_241, %broadcast_in_dim3A_100 : vector<1x1xf32>
    %add3A_243 = arith.addf %add3A_242, %broadcast_in_dim3A_144 : vector<1x1xf32>
    %add3A_244 = arith.addf %add3A_243, %broadcast_in_dim3A_166 : vector<1x1xf32>
    %add3A_245 = arith.addf %add3A_244, %broadcast_in_dim3A_210 : vector<1x1xf32>
    %mul3A_246 = arith.constant 2.000000e+00 : f32
    %mul3A_247 = vector.broadcast %mul3A_246 : f32 to vector<1x1xf32>
    %mul3A_248 = arith.mulf %mul3A_247, %add3A_245 : vector<1x1xf32>
    %add3A_249 = arith.addf %add3A_237, %mul3A_248 : vector<1x1xf32>
    %iota3A_250 = tpu.iota {dimensions = array<i32: 0>} : vector<16x1xi32>
    %eq3A_251 = vector.broadcast %reshape3A_4 : vector<1x1024xi32> to vector<16x1024xi32>
    %eq3A_252 = vector.broadcast %iota3A_250 : vector<16x1xi32> to vector<16x1024xi32>
    %eq3A_253 = arith.cmpi eq, %eq3A_251, %eq3A_252 : vector<16x1024xi32>
    %convert_element_type3A_254 = arith.extui %eq3A_253 : vector<16x1024xi1> to vector<16x1024xi32>
    %convert_element_type3A_255 = arith.sitofp %convert_element_type3A_254 : vector<16x1024xi32> to vector<16x1024xf32>
    %dot_general3A_256 = arith.constant dense<0.000000e+00> : vector<16x1xf32>
    %dot_general3A_257 = tpu.matmul %convert_element_type3A_255, %broadcast_in_dim3A, %dot_general3A_256 {dimension_numbers = #tpu.dot_dimension_numbers<[1], [0], [0], [1], [0, 0, 1, 1], [], []>, precision = #tpu.contract_precision<fp32>, transpose_lhs_hint = false} : vector<16x1024xf32>, vector<1024x1xf32>, vector<16x1xf32> -> vector<16x1xf32>
    %reduce_sum3A_258 = arith.constant dense<0.000000e+00> : vector<16xf32>
    %reduce_sum3A_259 = vector.multi_reduction <add>, %convert_element_type3A_255, %reduce_sum3A_258 [1] : vector<16x1024xf32> to vector<16xf32>
    %broadcast_in_dim3A_260 = vector.shape_cast %reduce_sum3A_259 : vector<16xf32> to vector<16x1xf32>
    %mul3A_261 = arith.mulf %broadcast_in_dim3A_260, %dot_general3A_257 : vector<16x1xf32>
    %reduce_sum3A_262 = vector.shape_cast %mul3A_261 : vector<16x1xf32> to vector<1x16x1xf32>
    %reduce_sum3A_263 = arith.constant dense<0.000000e+00> : vector<1xf32>
    %reduce_sum3A_264 = vector.multi_reduction <add>, %reduce_sum3A_262, %reduce_sum3A_263 [1, 2] : vector<1x16x1xf32> to vector<1xf32>
    %reduce_sum3A_265 = vector.shape_cast %reduce_sum3A_264 : vector<1xf32> to vector<1x1x1xf32>
    %reduce_sum3A_266 = vector.extract %reduce_sum3A_265[0, 0, 0] : f32 from vector<1x1x1xf32>
    %broadcast_in_dim3A_267 = vector.broadcast %reduce_sum3A_266 : f32 to vector<1x1xf32>
    %mul3A_268 = arith.constant 2.000000e+00 : f32
    %mul3A_269 = vector.broadcast %mul3A_268 : f32 to vector<1x1xf32>
    %mul3A_270 = arith.mulf %mul3A_269, %broadcast_in_dim3A_267 : vector<1x1xf32>
    %add3A_271 = arith.addf %mul3A_270, %add3A_249 : vector<1x1xf32>
    %mul3A_272 = arith.constant 9.54606548E-7 : f32
    %mul3A_273 = vector.broadcast %mul3A_272 : f32 to vector<1x1xf32>
    %mul3A_274 = arith.mulf %add3A_271, %mul3A_273 : vector<1x1xf32>
    %swap3A = arith.constant 0 : index
    %swap3A_275 = arith.constant 0 : index
    %swap3A_276 = vector.load %arg2[%swap3A, %swap3A_275] : memref<1x1xf32, #tpu.memory_space<vmem>>, vector<1x1xf32>
    tpu.vector_store %arg2[%swap3A, %swap3A_275], %mul3A_274 {strides = array<i32>} : memref<1x1xf32, #tpu.memory_space<vmem>>, vector<1x1xf32>,
    return
  }
}

</mosaic_0001>

<sc_bundles>
// kernel: kernel.4.cloned.1.call-start
scs
__scs_entry_jumppad:
0x0: {  	(pc) =	sbr.rel $0x88, $3  }
0x1: {  	(tag) =	ssettag $0x0;
	lr =	simm.s32 $0x1  }
0x2: {  	[smem:$0x3F9F] =	sst lr;
	_ =	strace $0xD0000000  }
0x3: {  	_ = 	snop  }
0x4: {  	_ = 	snop  }
0x5: {  	_ = 	snop  }
0x6: {  	_ = 	snop  }
0x7: {  	_ = 	snop  }
__scs_overlays_trampoline_lowered:
0x8: {  	[smem:$0x3FAE] =	sst s0  }
0x9: {  	[smem:$0x3FAF] =	sst s1  }
0xa: {  	[smem:$0x3FB0] =	sst s2  }
0xb: {  	[smem:$0x3FB1] =	sst s3  }
0xc: {  	[smem:$0x3FB2] =	sst s4  }
0xd: {  	[smem:$0x3FB3] =	sst s5  }
0xe: {  	[smem:$0x3FB4] =	sst s6  }
0xf: {  	[smem:$0x3FB5] =	sst s7  }
0x10: {  	[smem:$0x3FB6] =	sst s8  }
0x11: {  	[smem:$0x3FB7] =	sst s9;
	s0 =	simm.s32 @!p0 $0x0  }
0x12: {  	s1 =	sld [smem:$0x3F9D];
	s0 =	simm.s32 @p0 $0x1  }
0x13: {  	[smem:$0x3FB8] =	sst s0;
	s0 =	simm.s32 @!p1 $0x0  }
0x14: {  	s2 =	sld [smem:$0x3F9C];
	s0 =	simm.s32 @p1 $0x1  }
0x15: {  	[smem:$0x3FB9] =	sst s0;
	s0 =	simm.s32 @!p2 $0x0  }
0x16: {  	s3 =	sld [smem:$0x3FDB];
	s0 =	simm.s32 @p2 $0x1  }
0x17: {  	s4 =	simm.s32 $0x1BF5;
	[smem:$0x3FBB] =	sst s0  }
0x18: {  	s0 =	sld [smem:$0x3F9E];
	_ =	swait.ge [sflag:s4], $0x0  }
0x19: {  	s7 =	sld [smem:$0x3F9F]  }
0x1a: {  	s8 =	sadd.s32 $0xFFFFE003, lr  }
0x1b: {  	s9 =	sadd.s32 $0xFFFFFEF7, lr;
	s5 =	simm.s32 $0xFFFFFFFF;
	p2 =	slt.u32 s8, $0xFFFFF086  }
0x1c: {  	p1 =	slt.u32 s9, $0xF7A;
	s5 =	simm.s32 @!p2 $0x0  }
0x1d: {  	s5 =	simm.s32 @p1 $0x1;
	p0 =	seq.s32 s7, s2  }
0x1e: {  	s7 =	smul.u32 @!p0 $0xF7A, s2;
	p2 =	seq.s32 @!p0 s5, $0x0  }
0x1f: {  	s9 =	smul.u32 $0xF7A, s1;
	s8 =	simm.s32 @!p0 $0x1BF5;
	p2 =	por !p2, p0  }
0x20: {  	[sflag:s8] =	ssyncset.s32 @!p0 $0xFFFFF086;
	s6 =	sadd.s32 @!p0 s3, s7;
	s7 =	simm.s32 @!p0 $0x108  }
0x21: {  	s3 =	sadd.s32 s3, s9;
	s6 =	sadd.s32 @!p0 $0x88, s6;
	s7 =	simm.s32 @p2 $0x1082  }
0x22: {  	[simem:s7], [sflag:s8] =	dma.local @!p0 [hbm:s6], $0xF7A  }
0x23: {  	s9 =	sor.u32 $0xD0000000, s2;
	s6 =	simm.s32 $0x108;
	_ =	swait.ge @!p0 [sflag:s8], $0x0  }
0x24: {  	s3 =	sadd.s32 $0x88, s3;
	s6 =	simm.s32 @!p1 $0x1082;
	[sflag:s4] =	ssyncset.s32 $0xFFFFF086  }
0x25: {  	[simem:s6], [sflag:s4] =	dma.local [hbm:s3], $0xF7A  }
0x26: {  	[smem:$0x3F9F] =	sst s1;
	(tag) =	ssettag s2;
	_ =	strace s9  }
0x27: {  	s1 =	sld [smem:$0x3FAF]  }
0x28: {  	s2 =	sld [smem:$0x3FB0]  }
0x29: {  	s4 =	sld [smem:$0x3FB2]  }
0x2a: {  	p0 =	seq.s32 s5, $0x0;
	s5 =	sld [smem:$0x3FB3]  }
0x2b: {  	s6 =	sld [smem:$0x3FB4]  }
0x2c: {  	s7 =	sld [smem:$0x3FB5]  }
0x2d: {  	s3 =	simm.s32 $0x108;
	s8 =	sld [smem:$0x3FB6]  }
0x2e: {  	s3 =	simm.s32 @!p0 $0x1082;
	s9 =	sld [smem:$0x3FB7]  }
0x2f: {  	lr =	sadd.s32 s0, s3;
	s0 =	sld [smem:$0x3FAE]  }
0x30: {  	s3 =	sld [smem:$0x3FB1]  }
0x31: {  	[smem:$0x3FBA] =	sst s10  }
0x32: {  	s10 =	sld [smem:$0x3FB8];
	_ =	sdelay $0x3  }
0x33: {  	p0 =	seq.s32 s10, $0x1;
	s10 =	sld [smem:$0x3FBA];
	_ =	sdelay $0x3  }
0x34: {  	[smem:$0x3FBA] =	sst s10  }
0x35: {  	s10 =	sld [smem:$0x3FB9];
	_ =	sdelay $0x3  }
0x36: {  	p1 =	seq.s32 s10, $0x1;
	s10 =	sld [smem:$0x3FBA];
	_ =	sdelay $0x3  }
0x37: {  	[smem:$0x3FBA] =	sst s10  }
0x38: {  	s10 =	sld [smem:$0x3FBB]  }
0x39: {  	_ = 	snop;
	(pc) =	sbr.ind lr, $3  }
0x3a: {  	_ = 	snop  }
0x3b: {  	_ = 	snop  }
0x3c: {  	p2 =	seq.s32 s10, $0x1;
	s10 =	sld [smem:$0x3FBA]  }
0x3d: {  	_ =	shalt  }
0x3e: {  	_ =	shalt  }
0x3f: {  	_ =	shalt  }
0x40: {  	_ =	shalt  }
0x41: {  	_ =	shalt  }
0x42: {  	_ =	shalt  }
0x43: {  	_ =	shalt  }
0x44: {  	_ =	shalt  }
0x45: {  	_ =	shalt  }
0x46: {  	_ =	shalt  }
0x47: {  	_ =	shalt  }
0x48: {  	_ =	shalt  }
0x49: {  	_ =	shalt  }
0x4a: {  	_ =	shalt  }
0x4b: {  	_ =	shalt  }
0x4c: {  	_ =	shalt  }
0x4d: {  	_ =	shalt  }
0x4e: {  	_ =	shalt  }
0x4f: {  	_ =	shalt  }
0x50: {  	_ =	shalt  }
0x51: {  	_ =	shalt  }
0x52: {  	_ =	shalt  }
0x53: {  	_ =	shalt  }
0x54: {  	_ =	shalt  }
0x55: {  	_ =	shalt  }
0x56: {  	_ =	shalt  }
0x57: {  	_ =	shalt  }
0x58: {  	_ =	shalt  }
0x59: {  	_ =	shalt  }
0x5a: {  	_ =	shalt  }
0x5b: {  	_ =	shalt  }
0x5c: {  	_ =	shalt  }
0x5d: {  	_ =	shalt  }
0x5e: {  	_ =	shalt  }
0x5f: {  	_ =	shalt  }
0x60: {  	_ =	shalt  }
0x61: {  	_ =	shalt  }
0x62: {  	_ =	shalt  }
0x63: {  	_ =	shalt  }
0x64: {  	_ =	shalt  }
0x65: {  	_ =	shalt  }
0x66: {  	_ =	shalt  }
0x67: {  	_ =	shalt  }
0x68: {  	_ =	shalt  }
0x69: {  	_ =	shalt  }
0x6a: {  	_ =	shalt  }
0x6b: {  	_ =	shalt  }
0x6c: {  	_ =	shalt  }
0x6d: {  	_ =	shalt  }
0x6e: {  	_ =	shalt  }
0x6f: {  	_ =	shalt  }
0x70: {  	_ =	shalt  }
0x71: {  	_ =	shalt  }
0x72: {  	_ =	shalt  }
0x73: {  	_ =	shalt  }
0x74: {  	_ =	shalt  }
0x75: {  	_ =	shalt  }
0x76: {  	_ =	shalt  }
0x77: {  	_ =	shalt  }
0x78: {  	_ =	shalt  }
0x79: {  	_ =	shalt  }
0x7a: {  	_ =	shalt  }
0x7b: {  	_ =	shalt  }
0x7c: {  	_ =	shalt  }
0x7d: {  	_ =	shalt  }
0x7e: {  	_ =	shalt  }
0x7f: {  	_ =	shalt  }
0x80: {  	_ =	shalt  }
0x81: {  	_ =	shalt  }
0x82: {  	_ =	shalt  }
0x83: {  	_ =	shalt  }
0x84: {  	_ =	shalt  }
0x85: {  	_ =	shalt  }
0x86: {  	_ =	shalt  }
0x87: {  	_ =	shalt  }
.Lfunc_end0:
.L_simem_size_0:
called_computation_lowered:
.L_overlay_start_0:
0x88: {  	s2 =	sld [smem:$0x3FD9]  }
0x89: {  	s3 =	sld [smem:$0x3FFE];
	_ =	sdelay $0x1  }
0x8a: {  	s1 =	srdreg.scid  }
0x8b: {  	s0 =	sand.u32 $0x1, s1  }
0x8c: {  	s17 =	sshll.u32 s0, $0xA;
	s2 =	sadd.s32 s3, s2  }
0x8d: {  	s2 =	sadd.s32 s2, s17  }
0x8e: {  	[smem:$0x3FC6] =	sst s2  }
0x8f: {  	_ = 	snop  }
0x90: {  	s2 =	sld [smem:$0x3FC9]  }
0x91: {  	s18 =	sld [smem:$0x3FC8];
	(tm) =	ssettm $0x1  }
0x92: {  	s4 =	sld [smem:$0x3FFB];
	_ =	sdelay $0x3  }
0x93: {  	_ =	strace s4  }
0x94: {  	s4 =	sld [smem:$0x3FFC];
	_ =	sdelay $0x3  }
0x95: {  	_ =	strace s4  }
0x96: {  	s4 =	sld [smem:$0x3FFD];
	_ =	sdelay $0x3  }
0x97: {  	_ =	strace s4  }
0x98: {  	_ =	strace $0x8FFFFFFF  }
0x99: {  	s19 =	sld [smem:$0x3FDB];
	_ =	sdelay $0x1  }
0x9a: {  	s5 =	simm.s32 $_scs_section_size  }
0x9b: {  	s6 =	simm.s32 $_size__tile_overlayer_lowered;
	s7 =	simm.s32 $_tile_overlayer_lowered  }
0x9c: {  	s22 =	simm.s32 $0x1BFF;
	s21 =	sshll.u32 s7, $0x1;
	s4 =	sadd.s32 s5, s19  }
0x9d: {  	s8 =	simm.s32 $0x0;
	s20 =	sshll.u32 s6, $0x1;
	s6 =	sadd.s32 s21, s4  }
0x9e: {  	[timem:s8], [sflag:s22] =	dma.local [hbm:s6], s20  }
0x9f: {  	_ =	swait.ge [sflag:s22], s20  }
0xa0: {  	s5 =	ssub.s32 $0x0, s20;
	[sflag:s22] =	ssyncset.done $0x0  }
0xa1: {  	[sflag:s22] =	ssyncadd.s32 s5;
	_ =	sdelay $0x1  }
0xa2: {  	s23 =	simm.s32 $0x1B8B  }
0xa3: {  	_ =	swait.ge [sflag:s23], $0x1  }
0xa4: {  	[sflag:s23] =	ssyncset.done $0x0  }
0xa5: {  	s25 =	simm.s32 $0x1B8E;
	s24 =	sld [smem:$0x3FFE];
	[sflag:s23] =	ssyncadd.s32 $0xFFFFFFFF  }
0xa6: {  	s26 =	simm.s32 $execute0_lowered;
	[smem:$0x3FD2] =	sst s25  }
0xa7: {  	s6 =	sshll.u32 s26, $0x1;
	_ =	strace $0x80000046;
	[dreg:$0x1] =	wrdreg $0xFFFFFFFF  }
0xa8: {  	s28 =	simm.s32 $_size_execute0_lowered;
	s4 =	sadd.s32 s4, s6;
	[dreg:$0x0] =	wrdreg $0x0  }
0xa9: {  	s6 =	sshll.u32 s28, $0x1;
	[dreg:$0x2] =	wrdreg s4  }
0xaa: {  	[dreg:$0x3] =	wrdreg s6  }
0xab: {  	[dreg:$0x4] =	wrdreg $0xC0  }
0xac: {  	_ =	task [dreg:s8], $0x5FFFF  }
0xad: {  	[dreg:$0x1] =	wrdreg $0xFFFFFFFF  }
0xae: {  	[dreg:$0x0] =	wrdreg $0x60  }
0xaf: {  	[dreg:$0x2] =	wrdreg s2  }
0xb0: {  	[dreg:$0x3] =	wrdreg s18  }
0xb1: {  	[dreg:$0x4] =	wrdreg s24  }
0xb2: {  	[dreg:$0x5] =	wrdreg $0x10800  }
0xb3: {  	[dreg:$0x6] =	wrdreg $0x9  }
0xb4: {  	_ =	task.clear_ibuf [dreg:s8], $0x7FFFF;
	_ =	strace $0x90000046  }
0xb5: {  	s29 =	simm.s32 $0x9;
	_ =	strace $0x80000048  }
0xb6: {  	_ =	swait.ge [sflag:s29], $0x1  }
0xb7: {  	[sflag:s29] =	ssyncadd.s32 $0xFFFFFFFF  }
0xb8: {  	_ =	strace $0x90000048  }
0xb9: {  	_ =	sfence  }
0xba: {  	s30 =	sld [smem:$0x0];
	_ =	sdelay $0x2  }
0xbb: {  	s31 =	sshll.u32 s1, $0xD;
	s1 =	sshrl.u32 s1, $0x2  }
0xbc: {  	s3 =	sand.u32 $0x4000, s31;
	s1 =	sadd.s32 s1, s30  }
0xbd: {  	s0 =	sor.u32 s3, s0;
	s1 =	sshll.u32 s1, $0x11  }
0xbe: {  	s0 =	sor.u32 s1, s0  }
0xbf: {  	s0 =	sadd.s32 $0x8F2B, s0  }
0xc0: {  	[sflag:s0] =	ssyncadd.remote.s32 $0x1  }
0xc1: {  	_ =	sfence.sel $0xFFFF  }
0xc2: {  	[dreg:$0x0] =	wrdreg $0xFFFFFFFF;
	(pc) =	sbr.abs _section_cstart, $3  }
0xc3: {  	[dreg:$0x1] =	wrdreg $0xFFFFFFFF  }
0xc4: {  	_ =	task.clear_ibuf [dreg:s8], $0x2FFFF;
	_ =	strace $0x9FFFFFFF  }
0xc5: {  	(tm) =	ssettm $0x7FFFFFFF  }
tec
execute0_lowered:
.L_overlay_start_1:
0x0: {  	(tag) =	ssettag $0x1  }
0x1: {  	s3 =	rddreg [dreg:$0x0];
	s4 =	srdreg.scid  }
0x2: {  	s5 =	rddreg [dreg:$0x1];
	s7 =	sand.u32 $0x1, s4  }
0x3: {  	s6 =	rddreg [dreg:$0x2];
	s10 =	ssub.s32 $0x2, s7  }
0x4: {  	s1 =	rddreg [dreg:$0x3];
	s29 =	sshrl.u32 s10, $0x1  }
0x5: {  	s0 =	rddreg [dreg:$0x4];
	s2 =	simm.s32 $0x0;
	s10 =	ssub.s32 s10, s29  }
0x6: {  	s9 =	stileid.u32;
	p1 =	por $0x0, $0x0;
	s31 =	smax.u32 s10, $0x1  }
0x7: {  	[smem:$0x7FF] =	sst s2;
	s4 =	sadd.s32 $0x400, s6;
	s13 =	sadd.s32 $0xFFFFFFFF, s31  }
0x8: {  	s11 =	sshll.u32 s9, $0x6;
	p0 =	sne.s32 s9, $0x0;
	p2 =	sne.s32 s13, $0x0  }
.Ltmp0:
0x9: {  	s8 =	sshll.u32 s7, $0x8;
	s7 =	sshll.u32 s7, $0x5;
	(pc) =	sbr.rel @!p2 .LBB2_3-.Ltmp0, $4  }
0xa: {  	s9 =	simm.s32 $0x80;
	_ =	strace $0x80000047;
	s7 =	sor.u32 s7, s11  }
0xb: {  	s6 =	sadd.s32 s8, s6;
	s30 =	sshrl.u32 s7, $0x3;
	s7 =	sshll.u32 s7, $0x4  }
0xc: {  	s8 =	sadd.s32 s5, s30;
	s7 =	sadd.s32 s3, s7;
	s3 =	sadd.s32 $0x600, s6  }
0xd: {  	s5 =	sshrl.u32 @!p0 s1, $0x3;
	s6 =	simm.s32 $0x1;
	s10 =	simm.s32 $0x20  }
0xe: {  	s12 =	simm.s32 @!p0 $0x1C01;
	s11 =	simm.s32 @!p0 $0x1  }
0xf: {  	[spmem:s5], [sflag:s12] =	dma.local @!p0 [hbm:s4], $0x100  }
0x10: {  	_ =	swait.ge @!p0 [sflag:s11], $0x100  }
0x11: {  	[sflag:s11] =	ssyncset.done @!p0 $0x0  }
0x12: {  	[sflag:s11] =	ssyncadd.s32 @!p0 $0xFFFFFF00  }
0x13: {  	[bflag:$0x0] =	sbarrier.arrive $0xFFFF  }
0x14: {  	[tilespmem:s2], [sflag:$0x1] =	stream.linear.gather [hbm4b:s8+s2], $0x20, $0x38;
	[tilespmem:$0x1100] =	vst v63  }
0x15: {  	_ =	swait.ge [sflag:s6], $0x20  }
0x16: {  	[sflag:s6] =	ssyncset.done $0x0  }
0x17: {  	[sflag:s6] =	ssyncadd.s32 $0xFFFFFFE0  }
0x18: {  	[tilespmem:s9], [sflag:$0x1] =	stream.linear.gather [hbm4b:s7+s2], $0x1000, $0x38;
	[tilespmem:$0x1100] =	vst v63  }
0x19: {  	_ =	swait.ge [sflag:s6], $0x1000  }
0x1a: {  	[sflag:s6] =	ssyncset.done $0x0  }
0x1b: {  	[sflag:s6] =	ssyncadd.s32 $0xFFFFF000  }
0x1c: {  	[spmem:s1] =	stream.indirect.scatter.add.f32 [tilespmem:s9], [sflag:$0x1], $0x80, s2, s10, $0xb8;
	[tilespmem:$0x1100] =	vst v63  }
0x1d: {  	s13 =	sadd.s32 $0xFFFFFFFF, s13;
	_ =	swait.ge [sflag:s6], $0x1000  }
0x1e: {  	p2 =	sne.s32 s13, $0x0;
	[sflag:s6] =	ssyncset.done $0x0  }
.Ltmp1:
0x1f: {  	[sflag:s6] =	ssyncadd.s32 $0xFFFFF000;
	(pc) =	sbr.rel @!p2 .LBB2_3-.Ltmp1, $4  }
0x20: {  	[bflag:$0x0] =	sbarrier.arrive $0xFFFF  }
0x21: {  	[hbm:s3], [sflag:s12] =	dma.local @!p0 [spmem:s5], $0x100  }
0x22: {  	_ =	swait.ge @!p0 [sflag:s11], $0x100  }
0x23: {  	p1 =	por $0x1, $0x1;
	[sflag:s11] =	ssyncset.done @!p0 $0x0  }
.LBB2_2:
0x24: {  	[sflag:s11] =	ssyncadd.s32 @!p0 $0xFFFFFF00  }
0x25: {  	[spmem:s5], [sflag:s12] =	dma.local @!p0 [hbm:s4], $0x100  }
0x26: {  	s13 =	sadd.s32 $0xFFFFFFFF, s13;
	_ =	swait.ge @!p0 [sflag:s11], $0x100  }
0x27: {  	p2 =	sne.s32 s13, $0x0;
	[sflag:s11] =	ssyncset.done @!p0 $0x0  }
0x28: {  	[sflag:s11] =	ssyncadd.s32 @!p0 $0xFFFFFF00  }
0x29: {  	[bflag:$0x0] =	sbarrier.arrive $0xFFFF  }
0x2a: {  	[tilespmem:s2], [sflag:$0x1] =	stream.linear.gather [hbm4b:s8+s2], $0x20, $0x38;
	[tilespmem:$0x1100] =	vst v63  }
0x2b: {  	_ =	swait.ge [sflag:s6], $0x20  }
0x2c: {  	[sflag:s6] =	ssyncset.done $0x0  }
0x2d: {  	[sflag:s6] =	ssyncadd.s32 $0xFFFFFFE0  }
0x2e: {  	[tilespmem:s9], [sflag:$0x1] =	stream.linear.gather [hbm4b:s7+s2], $0x1000, $0x38;
	[tilespmem:$0x1100] =	vst v63  }
0x2f: {  	_ =	swait.ge [sflag:s6], $0x1000  }
0x30: {  	[sflag:s6] =	ssyncset.done $0x0  }
0x31: {  	[sflag:s6] =	ssyncadd.s32 $0xFFFFF000  }
0x32: {  	[spmem:s1] =	stream.indirect.scatter.add.f32 [tilespmem:s9], [sflag:$0x1], $0x80, s2, s10, $0xb8;
	[tilespmem:$0x1100] =	vst v63  }
0x33: {  	_ =	swait.ge [sflag:s6], $0x1000  }
0x34: {  	[sflag:s6] =	ssyncset.done $0x0  }
.Ltmp2:
0x35: {  	[sflag:s6] =	ssyncadd.s32 $0xFFFFF000;
	(pc) =	sbr.rel @p2 .LBB2_2-.Ltmp2, $4  }
0x36: {  	[bflag:$0x0] =	sbarrier.arrive $0xFFFF  }
0x37: {  	[hbm:s3], [sflag:s12] =	dma.local @!p0 [spmem:s5], $0x100  }
0x38: {  	_ =	swait.ge @!p0 [sflag:s11], $0x100  }
0x39: {  	[sflag:s11] =	ssyncset.done @!p0 $0x0  }
.LBB2_3:
0x3a: {  	p1 =	por p0, !p1  }
0x3b: {  	s12 =	simm.s32 @!p0 $0x1C01;
	s13 =	simm.s32 @!p0 $0x1;
	[sflag:s11] =	ssyncadd.s32 @!p1 $0xFFFFFF00  }
0x3c: {  	[spmem:s5], [sflag:s12] =	dma.local @!p0 [hbm:s4], $0x100  }
0x3d: {  	_ =	swait.ge @!p0 [sflag:s13], $0x100  }
0x3e: {  	[sflag:s13] =	ssyncset.done @!p0 $0x0  }
0x3f: {  	[sflag:s13] =	ssyncadd.s32 @!p0 $0xFFFFFF00  }
0x40: {  	[bflag:$0x0] =	sbarrier.arrive $0xFFFF  }
0x41: {  	[tilespmem:s2], [sflag:$0x1] =	stream.linear.gather [hbm4b:s8+s2], $0x20, $0x38;
	[tilespmem:$0x1100] =	vst v63  }
0x42: {  	_ =	swait.ge [sflag:s6], $0x20  }
0x43: {  	[sflag:s6] =	ssyncset.done $0x0  }
0x44: {  	[sflag:s6] =	ssyncadd.s32 $0xFFFFFFE0  }
0x45: {  	[tilespmem:s9], [sflag:$0x1] =	stream.linear.gather [hbm4b:s7+s2], $0x1000, $0x38;
	[tilespmem:$0x1100] =	vst v63  }
0x46: {  	_ =	swait.ge [sflag:s6], $0x1000  }
0x47: {  	[sflag:s6] =	ssyncset.done $0x0  }
0x48: {  	[sflag:s6] =	ssyncadd.s32 $0xFFFFF000  }
0x49: {  	[spmem:s1] =	stream.indirect.scatter.add.f32 [tilespmem:s9], [sflag:$0x1], $0x80, s2, s10, $0xb8;
	[tilespmem:$0x1100] =	vst v63  }
0x4a: {  	_ =	swait.ge [sflag:s6], $0x1000  }
0x4b: {  	[sflag:s6] =	ssyncset.done $0x0  }
0x4c: {  	[sflag:s6] =	ssyncadd.s32 $0xFFFFF000  }
0x4d: {  	[bflag:$0x0] =	sbarrier.arrive $0xFFFF  }
0x4e: {  	[hbm:s3], [sflag:s12] =	dma.local @!p0 [spmem:s5], $0x100  }
0x4f: {  	_ =	swait.ge @!p0 [sflag:s13], $0x100  }
0x50: {  	[sflag:s13] =	ssyncset.done @!p0 $0x0  }
0x51: {  	[sflag:s13] =	ssyncadd.s32 @!p0 $0xFFFFFF00  }
0x52: {  	_ =	sfence.sel $0x180000  }
0x53: {  	[bflag:$0x0] =	sbarrier.arrive $0xFFFF  }
0x54: {  	_ =	strace $0x90000047  }
0x55: {  	s0 =	sadd.s32 @!p0 $0x100000, s0;
	[bflag:$0x2] =	sbarrier.arrive $0xFFFF  }
0x56: {  	[sflag:s0] =	ssyncadd.tile.s32 @!p0 $0x1;
	_ =	shalt  }
.Lfunc_end2:
_tile_overlayer_lowered:
.L_overlay_start_2:
0x57: {  	(tag) =	ssettag $0x2  }
0x58: {  	s0 =	rddreg [dreg:$0x0];
	s2 =	stileid.u32  }
0x59: {  	s1 =	rddreg [dreg:$0x1];
	p0 =	sne.s32 s2, $0x0  }
0x5a: {  	s3 =	rddreg [dreg:$0x2];
	[bflag:$0x3] =	sbarrier.arrive $0xFFFF;
	s2 =	simm.s32 @!p0 $0x1C01  }
0x5b: {  	[timem:s3], [sflag:s2] =	dma.local @!p0 [hbm:s0], s1  }
0x5c: {  	s0 =	simm.s32 @!p0 $0x1  }
0x5d: {  	_ =	swait.ge @!p0 [sflag:s0], s1  }
0x5e: {  	s1 =	ssub.s32 @!p0 $0x0, s1;
	[sflag:s0] =	ssyncset.done @!p0 $0x0  }
0x5f: {  	[sflag:s0] =	ssyncadd.s32 @!p0 s1  }
0x60: {  	[bflag:$0x3] =	sbarrier.arrive $0xFFFF  }
0x61: {  	_ =	shalt  }

</sc_bundles>
